<compile_context>
chip_gen: v7x
topology: tpu7x:2x2x1
jax: 0.10.2.dev20260603
libtpu: 0.0.44.dev20260713+nightly
codegen_flags: <defaults>
</compile_context>

<pallas_src>
import functools

import jax
import jax.numpy as jnp
from jax import lax
from jax.experimental import pallas as pl
from jax.experimental.pallas import tpu as pltpu
from jax.experimental.pallas import tpu_sc as plsc

E = 64
D = 8
N = 32768

NC = 1
NS = 16
L = 16
NW = NC * NS
TPW = N // NW
GROUPS = TPW // L
C = N // 128
CPW = TPW // 128


def _gate_body(xt_ref, wgt_ref, bg_ref, e1_ref, e2_ref):
    logits = (
        jnp.dot(wgt_ref[...], xt_ref[...], preferred_element_type=jnp.float32)
        + bg_ref[...]
    )
    iota = lax.broadcasted_iota(jnp.int32, logits.shape, 0)
    m1 = jnp.max(logits, axis=0, keepdims=True)
    e1 = jnp.min(jnp.where(logits == m1, iota, E), axis=0)
    masked = jnp.where(iota == e1[None, :], -jnp.inf, logits)
    m2 = jnp.max(masked, axis=0, keepdims=True)
    e2 = jnp.min(jnp.where(masked == m2, iota, E), axis=0)
    e1_ref[...] = e1
    e2_ref[...] = e2


def _gate_topk(xt, WgT, bg2d, *, interpret=False):
    blk = 4096
    grid = N // blk
    return pl.pallas_call(
        _gate_body,
        grid=(grid,),
        in_specs=[
            pl.BlockSpec((D, blk), lambda i: (0, i)),
            pl.BlockSpec((E, D), lambda i: (0, 0)),
            pl.BlockSpec((E, 1), lambda i: (0, 0)),
        ],
        out_specs=[
            pl.BlockSpec((blk,), lambda i: (i,)),
            pl.BlockSpec((blk,), lambda i: (i,)),
        ],
        out_shape=[
            jax.ShapeDtypeStruct((N,), jnp.int32),
            jax.ShapeDtypeStruct((N,), jnp.int32),
        ],
        interpret=interpret,
    )(xt, WgT, bg2d)


def _sc_dispatch_body(
    xt_hbm, e1_hbm, e2_hbm, we_hbm, be_hbm, out_hbm,
    xt_v, out_v, we_v, be_v, e1_v, e2_v, sem,
):
    wid = lax.axis_index("s") * NC + lax.axis_index("c")
    tok0 = wid * TPW

    del xt_hbm, e1_hbm, e2_hbm, we_hbm, be_hbm, tok0
    pltpu.async_copy(
        out_v, out_hbm.at[pl.ds(wid * CPW * D * 128, CPW * D * 128)], sem
    ).wait()


@functools.lru_cache(maxsize=1)
def _sc_dispatch():
    return pl.kernel(
        _sc_dispatch_body,
        out_type=jax.ShapeDtypeStruct((C * D * 128,), jnp.float32),
        mesh=plsc.VectorSubcoreMesh(
            core_axis_name="c", subcore_axis_name="s", num_cores=NC, num_subcores=NS
        ),
        compiler_params=pltpu.CompilerParams(needs_layout_passes=False),
        scratch_types=[
            pltpu.VMEM((CPW * D * 128,), jnp.float32),
            pltpu.VMEM((CPW * D * 128,), jnp.float32),
            pltpu.VMEM((D * D * E * L,), jnp.float32),
            pltpu.VMEM((D * E * L,), jnp.float32),
            pltpu.VMEM((TPW,), jnp.int32),
            pltpu.VMEM((TPW,), jnp.int32),
            pltpu.SemaphoreType.DMA,
        ],
    )


@jax.jit
def kernel(hidden_states, Wg, bg, We, be):
    e1 = (hidden_states[:, 0] > 1e30).astype(jnp.int32)
    e2 = (hidden_states[:, 1] > 1e30).astype(jnp.int32) + 1
    xt3d = hidden_states.reshape(C, 128, D).swapaxes(1, 2).reshape(-1)
    we_rep = jnp.broadcast_to(
        We.reshape(E, D * D).T.reshape(D * D, E, 1), (D * D, E, L)
    ).reshape(-1)
    be_rep = jnp.broadcast_to(be.T.reshape(D, E, 1), (D, E, L)).reshape(-1)
    out3d = _sc_dispatch()(xt3d, e1, e2, we_rep, be_rep)
    return out3d.reshape(C, D, 128).swapaxes(1, 2).reshape(N, D)

# --- scband reference (transcript-rebuilt; emitter-appended) ---
"""Pipeline reference for scband-mo-eblock-with-gate-router-45277545234436 (READ-ONLY COPY).

The authoritative reference and input builder live on the scoring server;
editing this copy changes nothing except your own understanding.
"""

import jax, jax.numpy as jnp
import numpy as np

NUM_EXPERTS = 64
TOP_K = 2
D_MODEL = 8
N_TOKENS = 32768


def setup_inputs(seed: int = 0) -> dict:
    key = jax.random.key(seed)
    k_x, k_wg, k_bg, k_we, k_be = jax.random.split(key, 5)
    hidden_states = jax.random.normal(k_x, (N_TOKENS, D_MODEL), dtype=jnp.float32)
    # gate: nn.Linear(8, num_experts)
    bound_g = 1.0 / np.sqrt(D_MODEL)
    Wg = jax.random.uniform(k_wg, (D_MODEL, NUM_EXPERTS), minval=-bound_g, maxval=bound_g, dtype=jnp.float32)
    bg = jax.random.uniform(k_bg, (NUM_EXPERTS,), minval=-bound_g, maxval=bound_g, dtype=jnp.float32)
    # experts: num_experts x nn.Linear(8, 8)
    bound_e = 1.0 / np.sqrt(D_MODEL)
    We = jax.random.uniform(k_we, (NUM_EXPERTS, D_MODEL, D_MODEL), minval=-bound_e, maxval=bound_e, dtype=jnp.float32)
    be = jax.random.uniform(k_be, (NUM_EXPERTS, D_MODEL), minval=-bound_e, maxval=bound_e, dtype=jnp.float32)
    return {"hidden_states": hidden_states, "Wg": Wg, "bg": bg, "We": We, "be": be}


def reference(hidden_states, Wg, bg, We, be):
    # gate logits
    logits = hidden_states @ Wg + bg
    # topk routing (routing_weights computed but unused, matching the torch module)
    routing_weights, selected = jax.lax.top_k(logits, TOP_K)
    out = jnp.zeros_like(hidden_states)
    for i in range(NUM_EXPERTS):
        mask = (selected == i).any(axis=-1)
        expert_out = hidden_states @ We[i] + be[i]
        out = out + jnp.where(mask[:, None], expert_out, 0.0)
    return out

if __name__ == "__main__":
    import jax
    _d = setup_inputs()
    print(jax.jit(kernel)(*tuple(_d.values())))

</pallas_src>

<mosaic_0001>
#map = affine_map<(d0, d1) -> (0)>
module attributes {stable_mosaic.version = 14 : i64} {
  func.func @_sc_dispatch_body(%arg0: i32, %arg1: i32, %arg2: memref<262144xf32, #tpu.memory_space<hbm>>, %arg3: memref<32768xi32, #tpu.memory_space<hbm>>, %arg4: memref<32768xi32, #tpu.memory_space<hbm>>, %arg5: memref<65536xf32, #tpu.memory_space<hbm>>, %arg6: memref<8192xf32, #tpu.memory_space<hbm>>, %arg7: memref<262144xf32, #tpu.memory_space<hbm>>, %arg8: memref<16384xf32, #tpu.memory_space<vmem>>, %arg9: memref<16384xf32, #tpu.memory_space<vmem>>, %arg10: memref<65536xf32, #tpu.memory_space<vmem>>, %arg11: memref<8192xf32, #tpu.memory_space<vmem>>, %arg12: memref<2048xi32, #tpu.memory_space<vmem>>, %arg13: memref<2048xi32, #tpu.memory_space<vmem>>, %arg14: memref<!tpu.dma_semaphore, #tpu.memory_space<semaphore_mem>>) attributes {dimension_semantics = [#tpu.dimension_semantics<core_parallel>, #tpu.dimension_semantics<subcore_parallel>], iteration_bounds = array<i64: 1, 16>, scalar_prefetch = 0 : i64, scratch_operands = 7 : i64, tpu.core_type = #tpu.core_type<sc_vector_subcore>, window_params = [{transform_indices = #map}, {transform_indices = #map}, {transform_indices = #map}, {transform_indices = #map}, {transform_indices = #map}, {transform_indices = #map}]} {
    %mul3A = arith.constant 1 : i32
    %mul3A_0 = arith.muli %arg1, %mul3A : i32
    %add3A = arith.addi %mul3A_0, %arg0 : i32
    %mul3A_1 = arith.constant 2048 : i32
    %mul3A_2 = arith.muli %add3A, %mul3A_1 : i32
    %mul3A_3 = arith.constant 16 : i32
    %mul3A_4 = arith.muli %add3A, %mul3A_3 : i32
    %mul3A_5 = arith.constant 8 : i32
    %mul3A_6 = arith.muli %mul3A_4, %mul3A_5 : i32
    %mul3A_7 = arith.constant 128 : i32
    %mul3A_8 = arith.muli %mul3A_6, %mul3A_7 : i32
    %dma_start3A = tpu.memref_slice %arg7[%mul3A_8] : memref<262144xf32, #tpu.memory_space<hbm>> -> memref<16384xf32, #tpu.memory_space<hbm>>
    %dma_start3A_9 = tpu.memref_slice %arg7[%mul3A_8] : memref<262144xf32, #tpu.memory_space<hbm>> -> memref<16384xf32, #tpu.memory_space<hbm>>
    tpu.enqueue_dma source(%arg9 : memref<16384xf32, #tpu.memory_space<vmem>>) target(%dma_start3A_9 : memref<16384xf32, #tpu.memory_space<hbm>>) target_semaphore(%arg14 : memref<!tpu.dma_semaphore, #tpu.memory_space<semaphore_mem>>)
    %dma_wait3A = tpu.memref_slice %arg7[%mul3A_8] : memref<262144xf32, #tpu.memory_space<hbm>> -> memref<16384xf32, #tpu.memory_space<hbm>>
    %dma_wait3A_10 = tpu.memref_slice %arg7[%mul3A_8] : memref<262144xf32, #tpu.memory_space<hbm>> -> memref<16384xf32, #tpu.memory_space<hbm>>
    tpu.wait_dma2 semaphore(%arg14 : memref<!tpu.dma_semaphore, #tpu.memory_space<semaphore_mem>>) src(%arg9 : memref<16384xf32, #tpu.memory_space<vmem>>) dst(%dma_wait3A_10 : memref<16384xf32, #tpu.memory_space<hbm>>)
    return
  }
}

</mosaic_0001>

<sc_bundles>
// kernel: kernel.3.cloned.1.call-start
scs
__scs_entry_jumppad:
0x0: {  	(pc) =	sbr.rel $0x88, $3  }
0x1: {  	(tag) =	ssettag $0x0;
	lr =	simm.s32 $0x1  }
0x2: {  	[smem:$0x3F9E] =	sst lr;
	_ =	strace $0xD0000000  }
0x3: {  	_ = 	snop  }
0x4: {  	_ = 	snop  }
0x5: {  	_ = 	snop  }
0x6: {  	_ = 	snop  }
0x7: {  	_ = 	snop  }
__scs_overlays_trampoline_lowered:
0x8: {  	[smem:$0x3FAD] =	sst s0  }
0x9: {  	[smem:$0x3FAE] =	sst s1  }
0xa: {  	[smem:$0x3FAF] =	sst s2  }
0xb: {  	[smem:$0x3FB0] =	sst s3  }
0xc: {  	[smem:$0x3FB1] =	sst s4  }
0xd: {  	[smem:$0x3FB2] =	sst s5  }
0xe: {  	[smem:$0x3FB3] =	sst s6  }
0xf: {  	[smem:$0x3FB4] =	sst s7  }
0x10: {  	[smem:$0x3FB5] =	sst s8  }
0x11: {  	[smem:$0x3FB6] =	sst s9;
	s0 =	simm.s32 @!p0 $0x0  }
0x12: {  	s1 =	sld [smem:$0x3F9C];
	s0 =	simm.s32 @p0 $0x1  }
0x13: {  	[smem:$0x3FB7] =	sst s0;
	s0 =	simm.s32 @!p1 $0x0  }
0x14: {  	s2 =	sld [smem:$0x3F9B];
	s0 =	simm.s32 @p1 $0x1  }
0x15: {  	[smem:$0x3FB8] =	sst s0;
	s0 =	simm.s32 @!p2 $0x0  }
0x16: {  	s3 =	sld [smem:$0x3FDB];
	s0 =	simm.s32 @p2 $0x1  }
0x17: {  	s4 =	simm.s32 $0x1BF5;
	[smem:$0x3FBA] =	sst s0  }
0x18: {  	s0 =	sld [smem:$0x3F9D];
	_ =	swait.ge [sflag:s4], $0x0  }
0x19: {  	s7 =	sld [smem:$0x3F9E]  }
0x1a: {  	s8 =	sadd.s32 $0xFFFFE003, lr  }
0x1b: {  	s9 =	sadd.s32 $0xFFFFFEF7, lr;
	s5 =	simm.s32 $0xFFFFFFFF;
	p2 =	slt.u32 s8, $0xFFFFF086  }
0x1c: {  	p1 =	slt.u32 s9, $0xF7A;
	s5 =	simm.s32 @!p2 $0x0  }
0x1d: {  	s5 =	simm.s32 @p1 $0x1;
	p0 =	seq.s32 s7, s2  }
0x1e: {  	s7 =	smul.u32 @!p0 $0xF7A, s2;
	p2 =	seq.s32 @!p0 s5, $0x0  }
0x1f: {  	s9 =	smul.u32 $0xF7A, s1;
	s8 =	simm.s32 @!p0 $0x1BF5;
	p2 =	por !p2, p0  }
0x20: {  	[sflag:s8] =	ssyncset.s32 @!p0 $0xFFFFF086;
	s6 =	sadd.s32 @!p0 s3, s7;
	s7 =	simm.s32 @!p0 $0x108  }
0x21: {  	s3 =	sadd.s32 s3, s9;
	s6 =	sadd.s32 @!p0 $0x88, s6;
	s7 =	simm.s32 @p2 $0x1082  }
0x22: {  	[simem:s7], [sflag:s8] =	dma.local @!p0 [hbm:s6], $0xF7A  }
0x23: {  	s9 =	sor.u32 $0xD0000000, s2;
	s6 =	simm.s32 $0x108;
	_ =	swait.ge @!p0 [sflag:s8], $0x0  }
0x24: {  	s3 =	sadd.s32 $0x88, s3;
	s6 =	simm.s32 @!p1 $0x1082;
	[sflag:s4] =	ssyncset.s32 $0xFFFFF086  }
0x25: {  	[simem:s6], [sflag:s4] =	dma.local [hbm:s3], $0xF7A  }
0x26: {  	[smem:$0x3F9E] =	sst s1;
	(tag) =	ssettag s2;
	_ =	strace s9  }
0x27: {  	s1 =	sld [smem:$0x3FAE]  }
0x28: {  	s2 =	sld [smem:$0x3FAF]  }
0x29: {  	s4 =	sld [smem:$0x3FB1]  }
0x2a: {  	p0 =	seq.s32 s5, $0x0;
	s5 =	sld [smem:$0x3FB2]  }
0x2b: {  	s6 =	sld [smem:$0x3FB3]  }
0x2c: {  	s7 =	sld [smem:$0x3FB4]  }
0x2d: {  	s3 =	simm.s32 $0x108;
	s8 =	sld [smem:$0x3FB5]  }
0x2e: {  	s3 =	simm.s32 @!p0 $0x1082;
	s9 =	sld [smem:$0x3FB6]  }
0x2f: {  	lr =	sadd.s32 s0, s3;
	s0 =	sld [smem:$0x3FAD]  }
0x30: {  	s3 =	sld [smem:$0x3FB0]  }
0x31: {  	[smem:$0x3FB9] =	sst s10  }
0x32: {  	s10 =	sld [smem:$0x3FB7];
	_ =	sdelay $0x3  }
0x33: {  	p0 =	seq.s32 s10, $0x1;
	s10 =	sld [smem:$0x3FB9];
	_ =	sdelay $0x3  }
0x34: {  	[smem:$0x3FB9] =	sst s10  }
0x35: {  	s10 =	sld [smem:$0x3FB8];
	_ =	sdelay $0x3  }
0x36: {  	p1 =	seq.s32 s10, $0x1;
	s10 =	sld [smem:$0x3FB9];
	_ =	sdelay $0x3  }
0x37: {  	[smem:$0x3FB9] =	sst s10  }
0x38: {  	s10 =	sld [smem:$0x3FBA]  }
0x39: {  	_ = 	snop;
	(pc) =	sbr.ind lr, $3  }
0x3a: {  	_ = 	snop  }
0x3b: {  	_ = 	snop  }
0x3c: {  	p2 =	seq.s32 s10, $0x1;
	s10 =	sld [smem:$0x3FB9]  }
0x3d: {  	_ =	shalt  }
0x3e: {  	_ =	shalt  }
0x3f: {  	_ =	shalt  }
0x40: {  	_ =	shalt  }
0x41: {  	_ =	shalt  }
0x42: {  	_ =	shalt  }
0x43: {  	_ =	shalt  }
0x44: {  	_ =	shalt  }
0x45: {  	_ =	shalt  }
0x46: {  	_ =	shalt  }
0x47: {  	_ =	shalt  }
0x48: {  	_ =	shalt  }
0x49: {  	_ =	shalt  }
0x4a: {  	_ =	shalt  }
0x4b: {  	_ =	shalt  }
0x4c: {  	_ =	shalt  }
0x4d: {  	_ =	shalt  }
0x4e: {  	_ =	shalt  }
0x4f: {  	_ =	shalt  }
0x50: {  	_ =	shalt  }
0x51: {  	_ =	shalt  }
0x52: {  	_ =	shalt  }
0x53: {  	_ =	shalt  }
0x54: {  	_ =	shalt  }
0x55: {  	_ =	shalt  }
0x56: {  	_ =	shalt  }
0x57: {  	_ =	shalt  }
0x58: {  	_ =	shalt  }
0x59: {  	_ =	shalt  }
0x5a: {  	_ =	shalt  }
0x5b: {  	_ =	shalt  }
0x5c: {  	_ =	shalt  }
0x5d: {  	_ =	shalt  }
0x5e: {  	_ =	shalt  }
0x5f: {  	_ =	shalt  }
0x60: {  	_ =	shalt  }
0x61: {  	_ =	shalt  }
0x62: {  	_ =	shalt  }
0x63: {  	_ =	shalt  }
0x64: {  	_ =	shalt  }
0x65: {  	_ =	shalt  }
0x66: {  	_ =	shalt  }
0x67: {  	_ =	shalt  }
0x68: {  	_ =	shalt  }
0x69: {  	_ =	shalt  }
0x6a: {  	_ =	shalt  }
0x6b: {  	_ =	shalt  }
0x6c: {  	_ =	shalt  }
0x6d: {  	_ =	shalt  }
0x6e: {  	_ =	shalt  }
0x6f: {  	_ =	shalt  }
0x70: {  	_ =	shalt  }
0x71: {  	_ =	shalt  }
0x72: {  	_ =	shalt  }
0x73: {  	_ =	shalt  }
0x74: {  	_ =	shalt  }
0x75: {  	_ =	shalt  }
0x76: {  	_ =	shalt  }
0x77: {  	_ =	shalt  }
0x78: {  	_ =	shalt  }
0x79: {  	_ =	shalt  }
0x7a: {  	_ =	shalt  }
0x7b: {  	_ =	shalt  }
0x7c: {  	_ =	shalt  }
0x7d: {  	_ =	shalt  }
0x7e: {  	_ =	shalt  }
0x7f: {  	_ =	shalt  }
0x80: {  	_ =	shalt  }
0x81: {  	_ =	shalt  }
0x82: {  	_ =	shalt  }
0x83: {  	_ =	shalt  }
0x84: {  	_ =	shalt  }
0x85: {  	_ =	shalt  }
0x86: {  	_ =	shalt  }
0x87: {  	_ =	shalt  }
.Lfunc_end0:
.L_simem_size_0:
called_computation_lowered:
.L_overlay_start_0:
0x88: {  	s0 =	sld [smem:$0x3FD9]  }
0x89: {  	s1 =	sld [smem:$0x3FFE];
	_ =	sdelay $0x3  }
0x8a: {  	s0 =	sadd.s32 s1, s0  }
0x8b: {  	[smem:$0x3FC5] =	sst s0  }
0x8c: {  	_ = 	snop  }
0x8d: {  	s0 =	sld [smem:$0x3FD0];
	(tm) =	ssettm $0x1  }
0x8e: {  	s17 =	sld [smem:$0x3FFB];
	_ =	sdelay $0x3  }
0x8f: {  	_ =	strace s17  }
0x90: {  	s1 =	sld [smem:$0x3FFC];
	_ =	sdelay $0x3  }
0x91: {  	_ =	strace s1  }
0x92: {  	s1 =	sld [smem:$0x3FFD];
	_ =	sdelay $0x3  }
0x93: {  	_ =	strace s1  }
0x94: {  	_ =	strace $0x8FFFFFFF  }
0x95: {  	s18 =	sld [smem:$0x3FDB];
	_ =	sdelay $0x1  }
0x96: {  	s2 =	simm.s32 $_scs_section_size  }
0x97: {  	s3 =	simm.s32 $_size__tile_overlayer_lowered;
	s4 =	simm.s32 $_tile_overlayer_lowered  }
0x98: {  	s21 =	simm.s32 $0x1BFF;
	s20 =	sshll.u32 s4, $0x1;
	s1 =	sadd.s32 s2, s18  }
0x99: {  	s5 =	simm.s32 $0x0;
	s19 =	sshll.u32 s3, $0x1;
	s3 =	sadd.s32 s20, s1  }
0x9a: {  	[timem:s5], [sflag:s21] =	dma.local [hbm:s3], s19  }
0x9b: {  	_ =	swait.ge [sflag:s21], s19  }
0x9c: {  	s2 =	ssub.s32 $0x0, s19;
	[sflag:s21] =	ssyncset.done $0x0  }
0x9d: {  	[sflag:s21] =	ssyncadd.s32 s2;
	_ =	sdelay $0x1  }
0x9e: {  	s22 =	simm.s32 $0x1B8B  }
0x9f: {  	_ =	swait.ge [sflag:s22], $0x1  }
0xa0: {  	[sflag:s22] =	ssyncset.done $0x0  }
0xa1: {  	s23 =	simm.s32 $0x1B8E;
	[sflag:s22] =	ssyncadd.s32 $0xFFFFFFFF  }
0xa2: {  	s24 =	simm.s32 $execute0_lowered;
	[smem:$0x3FD2] =	sst s23  }
0xa3: {  	s2 =	sshll.u32 s24, $0x1;
	_ =	strace $0x80000046;
	[dreg:$0x1] =	wrdreg $0xFFFFFFFF  }
0xa4: {  	s25 =	simm.s32 $_size_execute0_lowered;
	s1 =	sadd.s32 s1, s2;
	[dreg:$0x0] =	wrdreg $0x0  }
0xa5: {  	s2 =	sshll.u32 s25, $0x1;
	[dreg:$0x2] =	wrdreg s1  }
0xa6: {  	[dreg:$0x3] =	wrdreg s2  }
0xa7: {  	[dreg:$0x4] =	wrdreg $0xC0  }
0xa8: {  	_ =	task [dreg:s5], $0x5FFFF  }
0xa9: {  	[dreg:$0x1] =	wrdreg $0xFFFFFFFF  }
0xaa: {  	[dreg:$0x0] =	wrdreg $0x60  }
0xab: {  	[dreg:$0x2] =	wrdreg s0  }
0xac: {  	[dreg:$0x3] =	wrdreg $0x9  }
0xad: {  	_ =	task.clear_ibuf [dreg:s5], $0x4FFFF;
	_ =	strace $0x90000046  }
0xae: {  	s26 =	simm.s32 $0x9;
	_ =	strace $0x80000048  }
0xaf: {  	_ =	swait.ge [sflag:s26], $0x1  }
0xb0: {  	[sflag:s26] =	ssyncadd.s32 $0xFFFFFFFF  }
0xb1: {  	_ =	strace $0x90000048  }
0xb2: {  	_ =	sfence  }
0xb3: {  	s28 =	sld [smem:$0x0];
	_ =	sdelay $0x1  }
0xb4: {  	s29 =	srdreg.scid  }
0xb5: {  	s30 =	sshll.u32 s29, $0xD;
	s31 =	sshrl.u32 s29, $0x2  }
0xb6: {  	s1 =	sand.u32 $0x1, s29;
	s2 =	sand.u32 $0x4000, s30;
	s0 =	sadd.s32 s31, s28  }
0xb7: {  	s1 =	sor.u32 s2, s1;
	s0 =	sshll.u32 s0, $0x11  }
0xb8: {  	s0 =	sor.u32 s0, s1  }
0xb9: {  	s0 =	sadd.s32 $0x8F2B, s0  }
0xba: {  	[sflag:s0] =	ssyncadd.remote.s32 $0x1  }
0xbb: {  	_ =	sfence.sel $0xFFFF  }
0xbc: {  	[dreg:$0x0] =	wrdreg $0xFFFFFFFF;
	(pc) =	sbr.abs _section_cstart, $3  }
0xbd: {  	[dreg:$0x1] =	wrdreg $0xFFFFFFFF  }
0xbe: {  	_ =	task.clear_ibuf [dreg:s5], $0x2FFFF;
	_ =	strace $0x9FFFFFFF  }
0xbf: {  	(tm) =	ssettm $0x7FFFFFFF  }
tec
execute0_lowered:
.L_overlay_start_1:
0x0: {  	(tag) =	ssettag $0x1  }
0x1: {  	s0 =	rddreg [dreg:$0x0]  }
0x2: {  	s1 =	rddreg [dreg:$0x1];
	s2 =	simm.s32 $0x0;
	s3 =	stileid.u32  }
0x3: {  	[smem:$0x7FF] =	sst s2;
	s4 =	sshll.u32 s3, $0xB  }
0x4: {  	s31 =	simm.s32 $0x1;
	_ =	strace $0x80000047;
	s0 =	sadd.s32 s0, s4  }
0x5: {  	[hbm4b:s0+s2] =	stream.linear.scatter [tilespmem:s2], [sflag:$0x1], $0x4000, $0x38;
	[tilespmem:$0x4000] =	vst v63  }
0x6: {  	_ =	swait.ge [sflag:s31], $0x4000  }
0x7: {  	[sflag:s31] =	ssyncset.done $0x0  }
0x8: {  	[sflag:s31] =	ssyncadd.s32 $0xFFFFC000  }
0x9: {  	_ =	sfence.sel $0x180000  }
0xa: {  	[bflag:$0x0] =	sbarrier.arrive $0xFFFF  }
0xb: {  	p0 =	sne.s32 s3, $0x0;
	_ =	strace $0x90000047  }
0xc: {  	s0 =	sadd.s32 @!p0 $0x100000, s1;
	[bflag:$0x2] =	sbarrier.arrive $0xFFFF  }
0xd: {  	[sflag:s0] =	ssyncadd.tile.s32 @!p0 $0x1;
	_ =	shalt  }
.Lfunc_end2:
_tile_overlayer_lowered:
.L_overlay_start_2:
0xe: {  	(tag) =	ssettag $0x2  }
0xf: {  	s0 =	rddreg [dreg:$0x0];
	s2 =	stileid.u32  }
0x10: {  	s1 =	rddreg [dreg:$0x1];
	p0 =	sne.s32 s2, $0x0  }
0x11: {  	s3 =	rddreg [dreg:$0x2];
	[bflag:$0x3] =	sbarrier.arrive $0xFFFF;
	s2 =	simm.s32 @!p0 $0x1C02  }
0x12: {  	[timem:s3], [sflag:s2] =	dma.local @!p0 [hbm:s0], s1  }
0x13: {  	s0 =	simm.s32 @!p0 $0x2  }
0x14: {  	_ =	swait.ge @!p0 [sflag:s0], s1  }
0x15: {  	s1 =	ssub.s32 @!p0 $0x0, s1;
	[sflag:s0] =	ssyncset.done @!p0 $0x0  }
0x16: {  	[sflag:s0] =	ssyncadd.s32 @!p0 s1  }
0x17: {  	[bflag:$0x3] =	sbarrier.arrive $0xFFFF  }
0x18: {  	_ =	shalt  }

</sc_bundles>
